<compile_context>
chip_gen: v7x
topology: tpu7x:2x2x1
jax: 0.10.2.dev20260603
libtpu: 0.0.44.dev20260713+nightly
codegen_flags: <defaults>
</compile_context>

<pallas_src>
import functools

import jax
import jax.numpy as jnp
from jax import lax
from jax.experimental import pallas as pl
from jax.experimental.pallas import tpu as pltpu
from jax.experimental.pallas import tpu_sc as plsc

VOCAB = 1000000
EMB = 128
HID = 64
BATCH = 4096
L = 200

NC = 2
NS = 16
NW = NC * NS
BPW = BATCH // NW
LANES = 16
NCOL = EMB // LANES
FIRE_CHUNK = 8


def _sc_body(table_hbm, idxt_hbm, out_hbm, idx_v, acc_v, sem):
    wid = lax.axis_index("s") * NC + lax.axis_index("c")
    sbase = wid * BPW

    idx_cp = pltpu.make_async_copy(idxt_hbm.at[wid], idx_v, sem)
    idx_cp.start()

    zeros = jnp.zeros((LANES,), jnp.float32)

    def zbody(r, carry):
        for c in range(NCOL):
            acc_v[r, pl.ds(c * LANES, LANES)] = zeros
        return carry

    lax.fori_loop(0, BPW, zbody, 0)
    idx_cp.wait()

    def fire_body(i, carry):
        for j in range(FIRE_CHUNK):
            pltpu.async_copy(
                table_hbm.at[idx_v.at[i * FIRE_CHUNK + j]], acc_v, sem,
                add=False)
        return carry

    lax.fori_loop(0, L // FIRE_CHUNK, fire_body, 0)

    def drain_body(i, carry):
        pltpu.make_async_copy(table_hbm.at[pl.ds(0, BPW)], acc_v, sem).wait()
        return carry

    lax.fori_loop(0, L, drain_body, 0)

    pltpu.sync_copy(acc_v, out_hbm.at[pl.ds(sbase, BPW)])


@jax.jit
def _sc_pool(emb_table, idxt):
    mesh = plsc.VectorSubcoreMesh(core_axis_name="c", subcore_axis_name="s")
    f = pl.kernel(
        _sc_body,
        out_type=jax.ShapeDtypeStruct((BATCH, EMB), jnp.float32),
        mesh=mesh,
        scratch_types=[
            pltpu.VMEM((L, BPW), jnp.int32),
            pltpu.VMEM((BPW, EMB), jnp.float32),
            pltpu.SemaphoreType.DMA,
        ],
    )
    return f(emb_table, idxt)


def _tc_body(x_ref, w_ref, b_ref, o_ref):
    o_ref[...] = (
        jnp.dot(x_ref[...] * (1.0 / L), w_ref[...],
                preferred_element_type=jnp.float32)
        + b_ref[...])


@jax.jit
def _tc_fc(pooled, W1, b1):
    bm = 512
    return pl.pallas_call(
        _tc_body,
        grid=(BATCH // bm,),
        in_specs=[
            pl.BlockSpec((bm, EMB), lambda i: (i, 0)),
            pl.BlockSpec((EMB, HID), lambda i: (0, 0)),
            pl.BlockSpec((1, HID), lambda i: (0, 0)),
        ],
        out_specs=pl.BlockSpec((bm, HID), lambda i: (i, 0)),
        out_shape=jax.ShapeDtypeStruct((BATCH, HID), jnp.float32),
    )(pooled, W1, b1)


def kernel(input, emb_table, W1, b1):
    idxt = input.astype(jnp.int32).reshape(NW, BPW, L).transpose(0, 2, 1)
    pooled = _sc_pool(emb_table, idxt)
    return _tc_fc(pooled, W1, b1.reshape(1, HID))

# --- scband reference (transcript-rebuilt; emitter-appended) ---
"""Pipeline reference for scband-module-36850819400102 (READ-ONLY COPY).

The authoritative reference and input builder live on the scoring server;
editing this copy changes nothing except your own understanding.
"""

import jax, jax.numpy as jnp
import numpy as np

VOCAB = 1000000
EMB = 128
HID = 64
B = 4096
L = 200

def setup_inputs(seed: int = 0) -> dict:
    key = jax.random.key(seed)
    k_idx, k_emb, k_w1, k_b1 = jax.random.split(key, 4)
    inp = jax.random.randint(k_idx, (B, L), 0, VOCAB, dtype=jnp.int64) if jax.config.jax_enable_x64 else jax.random.randint(k_idx, (B, L), 0, VOCAB, dtype=jnp.int32)
    emb_table = jax.random.normal(k_emb, (VOCAB, EMB), dtype=jnp.float32) * 0.02
    W1 = jax.random.normal(k_w1, (EMB, HID), dtype=jnp.float32) * (1.0 / np.sqrt(EMB))
    b1 = jax.random.normal(k_b1, (HID,), dtype=jnp.float32) * 0.01
    return {"input": inp, "emb_table": emb_table, "W1": W1, "b1": b1}

def reference(input, emb_table, W1, b1):
    # embeded = self.embedding(input)  -> [B, L, EMB]
    embeded = jnp.take(emb_table, input, axis=0)
    # fc1 = self.fc1(embeded)          -> [B, L, HID]
    fc1 = embeded @ W1 + b1
    # pooled = F.avg_pool2d(fc1, (L, 1)).squeeze() -> mean over L -> [B, HID]
    pooled = jnp.mean(fc1, axis=1)
    return pooled

if __name__ == "__main__":
    import jax
    _d = setup_inputs()
    print(jax.jit(kernel)(*tuple(_d.values())))

</pallas_src>

<mosaic_0001>
#map = affine_map<(d0, d1) -> (0, 0)>
#map1 = affine_map<(d0, d1) -> (0, 0, 0)>
module attributes {stable_mosaic.version = 14 : i64} {
  func.func @_sc_body(%arg0: i32, %arg1: i32, %arg2: memref<1000000x128xf32, #tpu.memory_space<hbm>>, %arg3: memref<32x200x128xi32, #tpu.memory_space<hbm>>, %arg4: memref<4096x128xf32, #tpu.memory_space<hbm>>, %arg5: memref<200x128xi32, #tpu.memory_space<vmem>>, %arg6: memref<128x128xf32, #tpu.memory_space<vmem>>, %arg7: memref<!tpu.dma_semaphore, #tpu.memory_space<semaphore_mem>>) attributes {dimension_semantics = [#tpu.dimension_semantics<core_parallel>, #tpu.dimension_semantics<subcore_parallel>], iteration_bounds = array<i64: 2, 16>, scalar_prefetch = 0 : i64, scratch_operands = 3 : i64, tpu.core_type = #tpu.core_type<sc_vector_subcore>, window_params = [{transform_indices = #map}, {transform_indices = #map1}, {transform_indices = #map}]} {
    %mul3A = arith.constant 2 : i32
    %mul3A_0 = arith.muli %arg1, %mul3A : i32
    %add3A = arith.addi %mul3A_0, %arg0 : i32
    %mul3A_1 = arith.constant 128 : i32
    %mul3A_2 = arith.muli %add3A, %mul3A_1 : i32
    %dma_start3A = arith.constant 0 : i32
    %dma_start3A_3 = arith.constant 0 : i32
    %dma_start3A_4 = tpu.memref_slice %arg3[%add3A, %dma_start3A, %dma_start3A_3] : memref<32x200x128xi32, #tpu.memory_space<hbm>> -> memref<1x200x128xi32, #tpu.memory_space<hbm>>
    %dma_start3A_5 = tpu.memref_squeeze %dma_start3A_4 : memref<1x200x128xi32, #tpu.memory_space<hbm>> -> memref<200x128xi32, #tpu.memory_space<hbm>>
    %dma_start3A_6 = arith.constant 0 : i32
    %dma_start3A_7 = arith.constant 0 : i32
    %dma_start3A_8 = tpu.memref_slice %arg3[%add3A, %dma_start3A_6, %dma_start3A_7] : memref<32x200x128xi32, #tpu.memory_space<hbm>> -> memref<1x200x128xi32, #tpu.memory_space<hbm>>
    %dma_start3A_9 = tpu.memref_squeeze %dma_start3A_8 : memref<1x200x128xi32, #tpu.memory_space<hbm>> -> memref<200x128xi32, #tpu.memory_space<hbm>>
    tpu.enqueue_dma source(%dma_start3A_9 : memref<200x128xi32, #tpu.memory_space<hbm>>) target(%arg5 : memref<200x128xi32, #tpu.memory_space<vmem>>) target_semaphore(%arg7 : memref<!tpu.dma_semaphore, #tpu.memory_space<semaphore_mem>>)
    %broadcast_in_dim3A = arith.constant 0.000000e+00 : f32
    %broadcast_in_dim3A_10 = vector.broadcast %broadcast_in_dim3A : f32 to vector<16xf32>
    %scan3A = arith.constant 0 : i32
    %scan3A_11 = arith.constant 0 : i32
    %scan3A_12 = arith.constant 128 : i32
    %scan3A_13 = arith.addi %scan3A_11, %scan3A_12 : i32
    %scan3A_14 = arith.constant 1 : i32
    scf.for %scan3A_35 = %scan3A_11 to %scan3A_13 step %scan3A_14  : i32 {
      %swap3A = arith.index_cast %scan3A_35 : i32 to index
      %swap3A_36 = arith.constant 0 : index
      %swap3A_37 = tpu.vector_load %arg6[%swap3A, %swap3A_36] {strides = array<i32>} : memref<128x128xf32, #tpu.memory_space<vmem>>, vector<1x16xf32>,
      %swap3A_38 = vector.shape_cast %swap3A_37 : vector<1x16xf32> to vector<16xf32>
      %swap3A_39 = vector.shape_cast %broadcast_in_dim3A_10 : vector<16xf32> to vector<1x16xf32>
      tpu.vector_store %arg6[%swap3A, %swap3A_36], %swap3A_39 {strides = array<i32>} : memref<128x128xf32, #tpu.memory_space<vmem>>, vector<1x16xf32>,
      %swap3A_40 = arith.index_cast %scan3A_35 : i32 to index
      %swap3A_41 = arith.constant 16 : index
      %swap3A_42 = tpu.vector_load %arg6[%swap3A_40, %swap3A_41] {strides = array<i32>} : memref<128x128xf32, #tpu.memory_space<vmem>>, vector<1x16xf32>,
      %swap3A_43 = vector.shape_cast %swap3A_42 : vector<1x16xf32> to vector<16xf32>
      %swap3A_44 = vector.shape_cast %broadcast_in_dim3A_10 : vector<16xf32> to vector<1x16xf32>
      tpu.vector_store %arg6[%swap3A_40, %swap3A_41], %swap3A_44 {strides = array<i32>} : memref<128x128xf32, #tpu.memory_space<vmem>>, vector<1x16xf32>,
      %swap3A_45 = arith.index_cast %scan3A_35 : i32 to index
      %swap3A_46 = arith.constant 32 : index
      %swap3A_47 = tpu.vector_load %arg6[%swap3A_45, %swap3A_46] {strides = array<i32>} : memref<128x128xf32, #tpu.memory_space<vmem>>, vector<1x16xf32>,
      %swap3A_48 = vector.shape_cast %swap3A_47 : vector<1x16xf32> to vector<16xf32>
      %swap3A_49 = vector.shape_cast %broadcast_in_dim3A_10 : vector<16xf32> to vector<1x16xf32>
      tpu.vector_store %arg6[%swap3A_45, %swap3A_46], %swap3A_49 {strides = array<i32>} : memref<128x128xf32, #tpu.memory_space<vmem>>, vector<1x16xf32>,
      %swap3A_50 = arith.index_cast %scan3A_35 : i32 to index
      %swap3A_51 = arith.constant 48 : index
      %swap3A_52 = tpu.vector_load %arg6[%swap3A_50, %swap3A_51] {strides = array<i32>} : memref<128x128xf32, #tpu.memory_space<vmem>>, vector<1x16xf32>,
      %swap3A_53 = vector.shape_cast %swap3A_52 : vector<1x16xf32> to vector<16xf32>
      %swap3A_54 = vector.shape_cast %broadcast_in_dim3A_10 : vector<16xf32> to vector<1x16xf32>
      tpu.vector_store %arg6[%swap3A_50, %swap3A_51], %swap3A_54 {strides = array<i32>} : memref<128x128xf32, #tpu.memory_space<vmem>>, vector<1x16xf32>,
      %swap3A_55 = arith.index_cast %scan3A_35 : i32 to index
      %swap3A_56 = arith.constant 64 : index
      %swap3A_57 = tpu.vector_load %arg6[%swap3A_55, %swap3A_56] {strides = array<i32>} : memref<128x128xf32, #tpu.memory_space<vmem>>, vector<1x16xf32>,
      %swap3A_58 = vector.shape_cast %swap3A_57 : vector<1x16xf32> to vector<16xf32>
      %swap3A_59 = vector.shape_cast %broadcast_in_dim3A_10 : vector<16xf32> to vector<1x16xf32>
      tpu.vector_store %arg6[%swap3A_55, %swap3A_56], %swap3A_59 {strides = array<i32>} : memref<128x128xf32, #tpu.memory_space<vmem>>, vector<1x16xf32>,
      %swap3A_60 = arith.index_cast %scan3A_35 : i32 to index
      %swap3A_61 = arith.constant 80 : index
      %swap3A_62 = tpu.vector_load %arg6[%swap3A_60, %swap3A_61] {strides = array<i32>} : memref<128x128xf32, #tpu.memory_space<vmem>>, vector<1x16xf32>,
      %swap3A_63 = vector.shape_cast %swap3A_62 : vector<1x16xf32> to vector<16xf32>
      %swap3A_64 = vector.shape_cast %broadcast_in_dim3A_10 : vector<16xf32> to vector<1x16xf32>
      tpu.vector_store %arg6[%swap3A_60, %swap3A_61], %swap3A_64 {strides = array<i32>} : memref<128x128xf32, #tpu.memory_space<vmem>>, vector<1x16xf32>,
      %swap3A_65 = arith.index_cast %scan3A_35 : i32 to index
      %swap3A_66 = arith.constant 96 : index
      %swap3A_67 = tpu.vector_load %arg6[%swap3A_65, %swap3A_66] {strides = array<i32>} : memref<128x128xf32, #tpu.memory_space<vmem>>, vector<1x16xf32>,
      %swap3A_68 = vector.shape_cast %swap3A_67 : vector<1x16xf32> to vector<16xf32>
      %swap3A_69 = vector.shape_cast %broadcast_in_dim3A_10 : vector<16xf32> to vector<1x16xf32>
      tpu.vector_store %arg6[%swap3A_65, %swap3A_66], %swap3A_69 {strides = array<i32>} : memref<128x128xf32, #tpu.memory_space<vmem>>, vector<1x16xf32>,
      %swap3A_70 = arith.index_cast %scan3A_35 : i32 to index
      %swap3A_71 = arith.constant 112 : index
      %swap3A_72 = tpu.vector_load %arg6[%swap3A_70, %swap3A_71] {strides = array<i32>} : memref<128x128xf32, #tpu.memory_space<vmem>>, vector<1x16xf32>,
      %swap3A_73 = vector.shape_cast %swap3A_72 : vector<1x16xf32> to vector<16xf32>
      %swap3A_74 = vector.shape_cast %broadcast_in_dim3A_10 : vector<16xf32> to vector<1x16xf32>
      tpu.vector_store %arg6[%swap3A_70, %swap3A_71], %swap3A_74 {strides = array<i32>} : memref<128x128xf32, #tpu.memory_space<vmem>>, vector<1x16xf32>,
    }
    %scan3A_15 = arith.constant 128 : i32
    %dma_wait3A = arith.constant 0 : i32
    %dma_wait3A_16 = arith.constant 0 : i32
    %dma_wait3A_17 = tpu.memref_slice %arg3[%add3A, %dma_wait3A, %dma_wait3A_16] : memref<32x200x128xi32, #tpu.memory_space<hbm>> -> memref<1x200x128xi32, #tpu.memory_space<hbm>>
    %dma_wait3A_18 = tpu.memref_squeeze %dma_wait3A_17 : memref<1x200x128xi32, #tpu.memory_space<hbm>> -> memref<200x128xi32, #tpu.memory_space<hbm>>
    %dma_wait3A_19 = arith.constant 0 : i32
    %dma_wait3A_20 = arith.constant 0 : i32
    %dma_wait3A_21 = tpu.memref_slice %arg3[%add3A, %dma_wait3A_19, %dma_wait3A_20] : memref<32x200x128xi32, #tpu.memory_space<hbm>> -> memref<1x200x128xi32, #tpu.memory_space<hbm>>
    %dma_wait3A_22 = tpu.memref_squeeze %dma_wait3A_21 : memref<1x200x128xi32, #tpu.memory_space<hbm>> -> memref<200x128xi32, #tpu.memory_space<hbm>>
    tpu.wait_dma2 semaphore(%arg7 : memref<!tpu.dma_semaphore, #tpu.memory_space<semaphore_mem>>) src(%dma_wait3A_22 : memref<200x128xi32, #tpu.memory_space<hbm>>) dst(%arg5 : memref<200x128xi32, #tpu.memory_space<vmem>>)
    %scan3A_23 = arith.constant 0 : i32
    %scan3A_24 = arith.constant 0 : i32
    %scan3A_25 = arith.constant 25 : i32
    %scan3A_26 = arith.addi %scan3A_24, %scan3A_25 : i32
    %scan3A_27 = arith.constant 1 : i32
    scf.for %scan3A_35 = %scan3A_24 to %scan3A_26 step %scan3A_27  : i32 {
      %mul3A_36 = arith.constant 8 : i32
      %mul3A_37 = arith.muli %scan3A_35, %mul3A_36 : i32
      %add3A_38 = arith.constant 0 : i32
      %add3A_39 = arith.addi %mul3A_37, %add3A_38 : i32
      %dma_start3A_40 = arith.constant 0 : i32
      %dma_start3A_41 = tpu.memref_slice %arg5[%add3A_39, %dma_start3A_40] : memref<200x128xi32, #tpu.memory_space<vmem>> -> memref<1x128xi32, #tpu.memory_space<vmem>>
      %dma_start3A_42 = tpu.memref_squeeze %dma_start3A_41 : memref<1x128xi32, #tpu.memory_space<vmem>> -> memref<128xi32, #tpu.memory_space<vmem>>
      %dma_start3A_43 = arith.constant 0 : i32
      %dma_start3A_44 = arith.constant 0 : i32
      %dma_start3A_45 = tpu.memref_slice %arg2[%dma_start3A_43, %dma_start3A_44] : memref<1000000x128xf32, #tpu.memory_space<hbm>> -> memref<1000000x128xf32, #tpu.memory_space<hbm>>
      tpu.enqueue_indirect_dma source(%dma_start3A_45 : memref<1000000x128xf32, #tpu.memory_space<hbm>>) target(%arg6 : memref<128x128xf32, #tpu.memory_space<vmem>>) offsets(%dma_start3A_42 : memref<128xi32, #tpu.memory_space<vmem>>) semaphore(%arg7 : memref<!tpu.dma_semaphore, #tpu.memory_space<semaphore_mem>>)
      %mul3A_46 = arith.constant 8 : i32
      %mul3A_47 = arith.muli %scan3A_35, %mul3A_46 : i32
      %add3A_48 = arith.constant 1 : i32
      %add3A_49 = arith.addi %mul3A_47, %add3A_48 : i32
      %dma_start3A_50 = arith.constant 0 : i32
      %dma_start3A_51 = tpu.memref_slice %arg5[%add3A_49, %dma_start3A_50] : memref<200x128xi32, #tpu.memory_space<vmem>> -> memref<1x128xi32, #tpu.memory_space<vmem>>
      %dma_start3A_52 = tpu.memref_squeeze %dma_start3A_51 : memref<1x128xi32, #tpu.memory_space<vmem>> -> memref<128xi32, #tpu.memory_space<vmem>>
      %dma_start3A_53 = arith.constant 0 : i32
      %dma_start3A_54 = arith.constant 0 : i32
      %dma_start3A_55 = tpu.memref_slice %arg2[%dma_start3A_53, %dma_start3A_54] : memref<1000000x128xf32, #tpu.memory_space<hbm>> -> memref<1000000x128xf32, #tpu.memory_space<hbm>>
      tpu.enqueue_indirect_dma source(%dma_start3A_55 : memref<1000000x128xf32, #tpu.memory_space<hbm>>) target(%arg6 : memref<128x128xf32, #tpu.memory_space<vmem>>) offsets(%dma_start3A_52 : memref<128xi32, #tpu.memory_space<vmem>>) semaphore(%arg7 : memref<!tpu.dma_semaphore, #tpu.memory_space<semaphore_mem>>)
      %mul3A_56 = arith.constant 8 : i32
      %mul3A_57 = arith.muli %scan3A_35, %mul3A_56 : i32
      %add3A_58 = arith.constant 2 : i32
      %add3A_59 = arith.addi %mul3A_57, %add3A_58 : i32
      %dma_start3A_60 = arith.constant 0 : i32
      %dma_start3A_61 = tpu.memref_slice %arg5[%add3A_59, %dma_start3A_60] : memref<200x128xi32, #tpu.memory_space<vmem>> -> memref<1x128xi32, #tpu.memory_space<vmem>>
      %dma_start3A_62 = tpu.memref_squeeze %dma_start3A_61 : memref<1x128xi32, #tpu.memory_space<vmem>> -> memref<128xi32, #tpu.memory_space<vmem>>
      %dma_start3A_63 = arith.constant 0 : i32
      %dma_start3A_64 = arith.constant 0 : i32
      %dma_start3A_65 = tpu.memref_slice %arg2[%dma_start3A_63, %dma_start3A_64] : memref<1000000x128xf32, #tpu.memory_space<hbm>> -> memref<1000000x128xf32, #tpu.memory_space<hbm>>
      tpu.enqueue_indirect_dma source(%dma_start3A_65 : memref<1000000x128xf32, #tpu.memory_space<hbm>>) target(%arg6 : memref<128x128xf32, #tpu.memory_space<vmem>>) offsets(%dma_start3A_62 : memref<128xi32, #tpu.memory_space<vmem>>) semaphore(%arg7 : memref<!tpu.dma_semaphore, #tpu.memory_space<semaphore_mem>>)
      %mul3A_66 = arith.constant 8 : i32
      %mul3A_67 = arith.muli %scan3A_35, %mul3A_66 : i32
      %add3A_68 = arith.constant 3 : i32
      %add3A_69 = arith.addi %mul3A_67, %add3A_68 : i32
      %dma_start3A_70 = arith.constant 0 : i32
      %dma_start3A_71 = tpu.memref_slice %arg5[%add3A_69, %dma_start3A_70] : memref<200x128xi32, #tpu.memory_space<vmem>> -> memref<1x128xi32, #tpu.memory_space<vmem>>
      %dma_start3A_72 = tpu.memref_squeeze %dma_start3A_71 : memref<1x128xi32, #tpu.memory_space<vmem>> -> memref<128xi32, #tpu.memory_space<vmem>>
      %dma_start3A_73 = arith.constant 0 : i32
      %dma_start3A_74 = arith.constant 0 : i32
      %dma_start3A_75 = tpu.memref_slice %arg2[%dma_start3A_73, %dma_start3A_74] : memref<1000000x128xf32, #tpu.memory_space<hbm>> -> memref<1000000x128xf32, #tpu.memory_space<hbm>>
      tpu.enqueue_indirect_dma source(%dma_start3A_75 : memref<1000000x128xf32, #tpu.memory_space<hbm>>) target(%arg6 : memref<128x128xf32, #tpu.memory_space<vmem>>) offsets(%dma_start3A_72 : memref<128xi32, #tpu.memory_space<vmem>>) semaphore(%arg7 : memref<!tpu.dma_semaphore, #tpu.memory_space<semaphore_mem>>)
      %mul3A_76 = arith.constant 8 : i32
      %mul3A_77 = arith.muli %scan3A_35, %mul3A_76 : i32
      %add3A_78 = arith.constant 4 : i32
      %add3A_79 = arith.addi %mul3A_77, %add3A_78 : i32
      %dma_start3A_80 = arith.constant 0 : i32
      %dma_start3A_81 = tpu.memref_slice %arg5[%add3A_79, %dma_start3A_80] : memref<200x128xi32, #tpu.memory_space<vmem>> -> memref<1x128xi32, #tpu.memory_space<vmem>>
      %dma_start3A_82 = tpu.memref_squeeze %dma_start3A_81 : memref<1x128xi32, #tpu.memory_space<vmem>> -> memref<128xi32, #tpu.memory_space<vmem>>
      %dma_start3A_83 = arith.constant 0 : i32
      %dma_start3A_84 = arith.constant 0 : i32
      %dma_start3A_85 = tpu.memref_slice %arg2[%dma_start3A_83, %dma_start3A_84] : memref<1000000x128xf32, #tpu.memory_space<hbm>> -> memref<1000000x128xf32, #tpu.memory_space<hbm>>
      tpu.enqueue_indirect_dma source(%dma_start3A_85 : memref<1000000x128xf32, #tpu.memory_space<hbm>>) target(%arg6 : memref<128x128xf32, #tpu.memory_space<vmem>>) offsets(%dma_start3A_82 : memref<128xi32, #tpu.memory_space<vmem>>) semaphore(%arg7 : memref<!tpu.dma_semaphore, #tpu.memory_space<semaphore_mem>>)
      %mul3A_86 = arith.constant 8 : i32
      %mul3A_87 = arith.muli %scan3A_35, %mul3A_86 : i32
      %add3A_88 = arith.constant 5 : i32
      %add3A_89 = arith.addi %mul3A_87, %add3A_88 : i32
      %dma_start3A_90 = arith.constant 0 : i32
      %dma_start3A_91 = tpu.memref_slice %arg5[%add3A_89, %dma_start3A_90] : memref<200x128xi32, #tpu.memory_space<vmem>> -> memref<1x128xi32, #tpu.memory_space<vmem>>
      %dma_start3A_92 = tpu.memref_squeeze %dma_start3A_91 : memref<1x128xi32, #tpu.memory_space<vmem>> -> memref<128xi32, #tpu.memory_space<vmem>>
      %dma_start3A_93 = arith.constant 0 : i32
      %dma_start3A_94 = arith.constant 0 : i32
      %dma_start3A_95 = tpu.memref_slice %arg2[%dma_start3A_93, %dma_start3A_94] : memref<1000000x128xf32, #tpu.memory_space<hbm>> -> memref<1000000x128xf32, #tpu.memory_space<hbm>>
      tpu.enqueue_indirect_dma source(%dma_start3A_95 : memref<1000000x128xf32, #tpu.memory_space<hbm>>) target(%arg6 : memref<128x128xf32, #tpu.memory_space<vmem>>) offsets(%dma_start3A_92 : memref<128xi32, #tpu.memory_space<vmem>>) semaphore(%arg7 : memref<!tpu.dma_semaphore, #tpu.memory_space<semaphore_mem>>)
      %mul3A_96 = arith.constant 8 : i32
      %mul3A_97 = arith.muli %scan3A_35, %mul3A_96 : i32
      %add3A_98 = arith.constant 6 : i32
      %add3A_99 = arith.addi %mul3A_97, %add3A_98 : i32
      %dma_start3A_100 = arith.constant 0 : i32
      %dma_start3A_101 = tpu.memref_slice %arg5[%add3A_99, %dma_start3A_100] : memref<200x128xi32, #tpu.memory_space<vmem>> -> memref<1x128xi32, #tpu.memory_space<vmem>>
      %dma_start3A_102 = tpu.memref_squeeze %dma_start3A_101 : memref<1x128xi32, #tpu.memory_space<vmem>> -> memref<128xi32, #tpu.memory_space<vmem>>
      %dma_start3A_103 = arith.constant 0 : i32
      %dma_start3A_104 = arith.constant 0 : i32
      %dma_start3A_105 = tpu.memref_slice %arg2[%dma_start3A_103, %dma_start3A_104] : memref<1000000x128xf32, #tpu.memory_space<hbm>> -> memref<1000000x128xf32, #tpu.memory_space<hbm>>
      tpu.enqueue_indirect_dma source(%dma_start3A_105 : memref<1000000x128xf32, #tpu.memory_space<hbm>>) target(%arg6 : memref<128x128xf32, #tpu.memory_space<vmem>>) offsets(%dma_start3A_102 : memref<128xi32, #tpu.memory_space<vmem>>) semaphore(%arg7 : memref<!tpu.dma_semaphore, #tpu.memory_space<semaphore_mem>>)
      %mul3A_106 = arith.constant 8 : i32
      %mul3A_107 = arith.muli %scan3A_35, %mul3A_106 : i32
      %add3A_108 = arith.constant 7 : i32
      %add3A_109 = arith.addi %mul3A_107, %add3A_108 : i32
      %dma_start3A_110 = arith.constant 0 : i32
      %dma_start3A_111 = tpu.memref_slice %arg5[%add3A_109, %dma_start3A_110] : memref<200x128xi32, #tpu.memory_space<vmem>> -> memref<1x128xi32, #tpu.memory_space<vmem>>
      %dma_start3A_112 = tpu.memref_squeeze %dma_start3A_111 : memref<1x128xi32, #tpu.memory_space<vmem>> -> memref<128xi32, #tpu.memory_space<vmem>>
      %dma_start3A_113 = arith.constant 0 : i32
      %dma_start3A_114 = arith.constant 0 : i32
      %dma_start3A_115 = tpu.memref_slice %arg2[%dma_start3A_113, %dma_start3A_114] : memref<1000000x128xf32, #tpu.memory_space<hbm>> -> memref<1000000x128xf32, #tpu.memory_space<hbm>>
      tpu.enqueue_indirect_dma source(%dma_start3A_115 : memref<1000000x128xf32, #tpu.memory_space<hbm>>) target(%arg6 : memref<128x128xf32, #tpu.memory_space<vmem>>) offsets(%dma_start3A_112 : memref<128xi32, #tpu.memory_space<vmem>>) semaphore(%arg7 : memref<!tpu.dma_semaphore, #tpu.memory_space<semaphore_mem>>)
    }
    %scan3A_28 = arith.constant 25 : i32
    %scan3A_29 = arith.constant 0 : i32
    %scan3A_30 = arith.constant 0 : i32
    %scan3A_31 = arith.constant 200 : i32
    %scan3A_32 = arith.addi %scan3A_30, %scan3A_31 : i32
    %scan3A_33 = arith.constant 1 : i32
    scf.for %scan3A_35 = %scan3A_30 to %scan3A_32 step %scan3A_33  : i32 {
      %dma_wait3A_36 = arith.constant 0 : i32
      %dma_wait3A_37 = arith.constant 0 : i32
      %dma_wait3A_38 = tpu.memref_slice %arg2[%dma_wait3A_36, %dma_wait3A_37] : memref<1000000x128xf32, #tpu.memory_space<hbm>> -> memref<128x128xf32, #tpu.memory_space<hbm>>
      %dma_wait3A_39 = arith.constant 0 : i32
      %dma_wait3A_40 = arith.constant 0 : i32
      %dma_wait3A_41 = tpu.memref_slice %arg2[%dma_wait3A_39, %dma_wait3A_40] : memref<1000000x128xf32, #tpu.memory_space<hbm>> -> memref<128x128xf32, #tpu.memory_space<hbm>>
      tpu.wait_dma2 semaphore(%arg7 : memref<!tpu.dma_semaphore, #tpu.memory_space<semaphore_mem>>) src(%dma_wait3A_41 : memref<128x128xf32, #tpu.memory_space<hbm>>) dst(%arg6 : memref<128x128xf32, #tpu.memory_space<vmem>>)
    }
    %scan3A_34 = arith.constant 200 : i32
    "tpu.region"() ({
      %run_scoped3A = tpu.sem_alloc : memref<!tpu.dma_semaphore, #tpu.memory_space<semaphore_mem>>
      %dma_start3A_35 = arith.constant 0 : i32
      %dma_start3A_36 = tpu.memref_slice %arg4[%mul3A_2, %dma_start3A_35] : memref<4096x128xf32, #tpu.memory_space<hbm>> -> memref<128x128xf32, #tpu.memory_space<hbm>>
      %dma_start3A_37 = arith.constant 0 : i32
      %dma_start3A_38 = tpu.memref_slice %arg4[%mul3A_2, %dma_start3A_37] : memref<4096x128xf32, #tpu.memory_space<hbm>> -> memref<128x128xf32, #tpu.memory_space<hbm>>
      tpu.enqueue_dma source(%arg6 : memref<128x128xf32, #tpu.memory_space<vmem>>) target(%dma_start3A_38 : memref<128x128xf32, #tpu.memory_space<hbm>>) target_semaphore(%run_scoped3A : memref<!tpu.dma_semaphore, #tpu.memory_space<semaphore_mem>>)
      %dma_wait3A_39 = arith.constant 0 : i32
      %dma_wait3A_40 = tpu.memref_slice %arg4[%mul3A_2, %dma_wait3A_39] : memref<4096x128xf32, #tpu.memory_space<hbm>> -> memref<128x128xf32, #tpu.memory_space<hbm>>
      %dma_wait3A_41 = arith.constant 0 : i32
      %dma_wait3A_42 = tpu.memref_slice %arg4[%mul3A_2, %dma_wait3A_41] : memref<4096x128xf32, #tpu.memory_space<hbm>> -> memref<128x128xf32, #tpu.memory_space<hbm>>
      tpu.wait_dma2 semaphore(%run_scoped3A : memref<!tpu.dma_semaphore, #tpu.memory_space<semaphore_mem>>) src(%arg6 : memref<128x128xf32, #tpu.memory_space<vmem>>) dst(%dma_wait3A_42 : memref<128x128xf32, #tpu.memory_space<hbm>>)
      tpu.yield
    }) : () -> ()
    return
  }
}

</mosaic_0001>

<sc_bundles>
// kernel: _sc_pool.3.cloned.1.call-start
scs
__scs_entry_jumppad:
0x0: {  	(pc) =	sbr.rel $0x88, $3  }
0x1: {  	(tag) =	ssettag $0x0;
	lr =	simm.s32 $0x1  }
0x2: {  	[smem:$0x3F9F] =	sst lr;
	_ =	strace $0xD0000000  }
0x3: {  	_ = 	snop  }
0x4: {  	_ = 	snop  }
0x5: {  	_ = 	snop  }
0x6: {  	_ = 	snop  }
0x7: {  	_ = 	snop  }
__scs_overlays_trampoline_lowered:
0x8: {  	[smem:$0x3FAE] =	sst s0  }
0x9: {  	[smem:$0x3FAF] =	sst s1  }
0xa: {  	[smem:$0x3FB0] =	sst s2  }
0xb: {  	[smem:$0x3FB1] =	sst s3  }
0xc: {  	[smem:$0x3FB2] =	sst s4  }
0xd: {  	[smem:$0x3FB3] =	sst s5  }
0xe: {  	[smem:$0x3FB4] =	sst s6  }
0xf: {  	[smem:$0x3FB5] =	sst s7  }
0x10: {  	[smem:$0x3FB6] =	sst s8  }
0x11: {  	[smem:$0x3FB7] =	sst s9;
	s0 =	simm.s32 @!p0 $0x0  }
0x12: {  	s1 =	sld [smem:$0x3F9D];
	s0 =	simm.s32 @p0 $0x1  }
0x13: {  	[smem:$0x3FB8] =	sst s0;
	s0 =	simm.s32 @!p1 $0x0  }
0x14: {  	s2 =	sld [smem:$0x3F9C];
	s0 =	simm.s32 @p1 $0x1  }
0x15: {  	[smem:$0x3FB9] =	sst s0;
	s0 =	simm.s32 @!p2 $0x0  }
0x16: {  	s3 =	sld [smem:$0x3FDB];
	s0 =	simm.s32 @p2 $0x1  }
0x17: {  	s4 =	simm.s32 $0x1BF5;
	[smem:$0x3FBB] =	sst s0  }
0x18: {  	s0 =	sld [smem:$0x3F9E];
	_ =	swait.ge [sflag:s4], $0x0  }
0x19: {  	s7 =	sld [smem:$0x3F9F]  }
0x1a: {  	s8 =	sadd.s32 $0xFFFFE003, lr  }
0x1b: {  	s9 =	sadd.s32 $0xFFFFFEF7, lr;
	s5 =	simm.s32 $0xFFFFFFFF;
	p2 =	slt.u32 s8, $0xFFFFF086  }
0x1c: {  	p1 =	slt.u32 s9, $0xF7A;
	s5 =	simm.s32 @!p2 $0x0  }
0x1d: {  	s5 =	simm.s32 @p1 $0x1;
	p0 =	seq.s32 s7, s2  }
0x1e: {  	s7 =	smul.u32 @!p0 $0xF7A, s2;
	p2 =	seq.s32 @!p0 s5, $0x0  }
0x1f: {  	s9 =	smul.u32 $0xF7A, s1;
	s8 =	simm.s32 @!p0 $0x1BF5;
	p2 =	por !p2, p0  }
0x20: {  	[sflag:s8] =	ssyncset.s32 @!p0 $0xFFFFF086;
	s6 =	sadd.s32 @!p0 s3, s7;
	s7 =	simm.s32 @!p0 $0x108  }
0x21: {  	s3 =	sadd.s32 s3, s9;
	s6 =	sadd.s32 @!p0 $0x88, s6;
	s7 =	simm.s32 @p2 $0x1082  }
0x22: {  	[simem:s7], [sflag:s8] =	dma.local @!p0 [hbm:s6], $0xF7A  }
0x23: {  	s9 =	sor.u32 $0xD0000000, s2;
	s6 =	simm.s32 $0x108;
	_ =	swait.ge @!p0 [sflag:s8], $0x0  }
0x24: {  	s3 =	sadd.s32 $0x88, s3;
	s6 =	simm.s32 @!p1 $0x1082;
	[sflag:s4] =	ssyncset.s32 $0xFFFFF086  }
0x25: {  	[simem:s6], [sflag:s4] =	dma.local [hbm:s3], $0xF7A  }
0x26: {  	[smem:$0x3F9F] =	sst s1;
	(tag) =	ssettag s2;
	_ =	strace s9  }
0x27: {  	s1 =	sld [smem:$0x3FAF]  }
0x28: {  	s2 =	sld [smem:$0x3FB0]  }
0x29: {  	s4 =	sld [smem:$0x3FB2]  }
0x2a: {  	p0 =	seq.s32 s5, $0x0;
	s5 =	sld [smem:$0x3FB3]  }
0x2b: {  	s6 =	sld [smem:$0x3FB4]  }
0x2c: {  	s7 =	sld [smem:$0x3FB5]  }
0x2d: {  	s3 =	simm.s32 $0x108;
	s8 =	sld [smem:$0x3FB6]  }
0x2e: {  	s3 =	simm.s32 @!p0 $0x1082;
	s9 =	sld [smem:$0x3FB7]  }
0x2f: {  	lr =	sadd.s32 s0, s3;
	s0 =	sld [smem:$0x3FAE]  }
0x30: {  	s3 =	sld [smem:$0x3FB1]  }
0x31: {  	[smem:$0x3FBA] =	sst s10  }
0x32: {  	s10 =	sld [smem:$0x3FB8];
	_ =	sdelay $0x3  }
0x33: {  	p0 =	seq.s32 s10, $0x1;
	s10 =	sld [smem:$0x3FBA];
	_ =	sdelay $0x3  }
0x34: {  	[smem:$0x3FBA] =	sst s10  }
0x35: {  	s10 =	sld [smem:$0x3FB9];
	_ =	sdelay $0x3  }
0x36: {  	p1 =	seq.s32 s10, $0x1;
	s10 =	sld [smem:$0x3FBA];
	_ =	sdelay $0x3  }
0x37: {  	[smem:$0x3FBA] =	sst s10  }
0x38: {  	s10 =	sld [smem:$0x3FBB]  }
0x39: {  	_ = 	snop;
	(pc) =	sbr.ind lr, $3  }
0x3a: {  	_ = 	snop  }
0x3b: {  	_ = 	snop  }
0x3c: {  	p2 =	seq.s32 s10, $0x1;
	s10 =	sld [smem:$0x3FBA]  }
0x3d: {  	_ =	shalt  }
0x3e: {  	_ =	shalt  }
0x3f: {  	_ =	shalt  }
0x40: {  	_ =	shalt  }
0x41: {  	_ =	shalt  }
0x42: {  	_ =	shalt  }
0x43: {  	_ =	shalt  }
0x44: {  	_ =	shalt  }
0x45: {  	_ =	shalt  }
0x46: {  	_ =	shalt  }
0x47: {  	_ =	shalt  }
0x48: {  	_ =	shalt  }
0x49: {  	_ =	shalt  }
0x4a: {  	_ =	shalt  }
0x4b: {  	_ =	shalt  }
0x4c: {  	_ =	shalt  }
0x4d: {  	_ =	shalt  }
0x4e: {  	_ =	shalt  }
0x4f: {  	_ =	shalt  }
0x50: {  	_ =	shalt  }
0x51: {  	_ =	shalt  }
0x52: {  	_ =	shalt  }
0x53: {  	_ =	shalt  }
0x54: {  	_ =	shalt  }
0x55: {  	_ =	shalt  }
0x56: {  	_ =	shalt  }
0x57: {  	_ =	shalt  }
0x58: {  	_ =	shalt  }
0x59: {  	_ =	shalt  }
0x5a: {  	_ =	shalt  }
0x5b: {  	_ =	shalt  }
0x5c: {  	_ =	shalt  }
0x5d: {  	_ =	shalt  }
0x5e: {  	_ =	shalt  }
0x5f: {  	_ =	shalt  }
0x60: {  	_ =	shalt  }
0x61: {  	_ =	shalt  }
0x62: {  	_ =	shalt  }
0x63: {  	_ =	shalt  }
0x64: {  	_ =	shalt  }
0x65: {  	_ =	shalt  }
0x66: {  	_ =	shalt  }
0x67: {  	_ =	shalt  }
0x68: {  	_ =	shalt  }
0x69: {  	_ =	shalt  }
0x6a: {  	_ =	shalt  }
0x6b: {  	_ =	shalt  }
0x6c: {  	_ =	shalt  }
0x6d: {  	_ =	shalt  }
0x6e: {  	_ =	shalt  }
0x6f: {  	_ =	shalt  }
0x70: {  	_ =	shalt  }
0x71: {  	_ =	shalt  }
0x72: {  	_ =	shalt  }
0x73: {  	_ =	shalt  }
0x74: {  	_ =	shalt  }
0x75: {  	_ =	shalt  }
0x76: {  	_ =	shalt  }
0x77: {  	_ =	shalt  }
0x78: {  	_ =	shalt  }
0x79: {  	_ =	shalt  }
0x7a: {  	_ =	shalt  }
0x7b: {  	_ =	shalt  }
0x7c: {  	_ =	shalt  }
0x7d: {  	_ =	shalt  }
0x7e: {  	_ =	shalt  }
0x7f: {  	_ =	shalt  }
0x80: {  	_ =	shalt  }
0x81: {  	_ =	shalt  }
0x82: {  	_ =	shalt  }
0x83: {  	_ =	shalt  }
0x84: {  	_ =	shalt  }
0x85: {  	_ =	shalt  }
0x86: {  	_ =	shalt  }
0x87: {  	_ =	shalt  }
.Lfunc_end0:
.L_simem_size_0:
called_computation_lowered:
.L_overlay_start_0:
0x88: {  	s2 =	sld [smem:$0x3FD9]  }
0x89: {  	s3 =	sld [smem:$0x3FFE];
	_ =	sdelay $0x1  }
0x8a: {  	s1 =	srdreg.scid  }
0x8b: {  	s0 =	sand.u32 $0x1, s1  }
0x8c: {  	s18 =	sshll.u32 s0, $0xA;
	s2 =	sadd.s32 s3, s2  }
0x8d: {  	s2 =	sadd.s32 s2, s18  }
0x8e: {  	[smem:$0x3FC6] =	sst s2  }
0x8f: {  	_ = 	snop  }
0x90: {  	s2 =	sld [smem:$0x3FC9]  }
0x91: {  	s19 =	sld [smem:$0x3FC8]  }
0x92: {  	s4 =	sld [smem:$0x3FD0];
	(tm) =	ssettm $0x1  }
0x93: {  	s5 =	sld [smem:$0x3FFB];
	_ =	sdelay $0x3  }
0x94: {  	_ =	strace s5  }
0x95: {  	s5 =	sld [smem:$0x3FFC];
	_ =	sdelay $0x3  }
0x96: {  	_ =	strace s5  }
0x97: {  	s5 =	sld [smem:$0x3FFD];
	_ =	sdelay $0x3  }
0x98: {  	_ =	strace s5  }
0x99: {  	_ =	strace $0x8FFFFFFF  }
0x9a: {  	s20 =	sld [smem:$0x3FDB];
	_ =	sdelay $0x1  }
0x9b: {  	s6 =	simm.s32 $_scs_section_size  }
0x9c: {  	s7 =	simm.s32 $_size__tile_overlayer_lowered;
	s8 =	simm.s32 $_tile_overlayer_lowered  }
0x9d: {  	s23 =	simm.s32 $0x1BFF;
	s22 =	sshll.u32 s8, $0x1;
	s5 =	sadd.s32 s6, s20  }
0x9e: {  	s9 =	simm.s32 $0x0;
	s21 =	sshll.u32 s7, $0x1;
	s7 =	sadd.s32 s22, s5  }
0x9f: {  	[timem:s9], [sflag:s23] =	dma.local [hbm:s7], s21  }
0xa0: {  	_ =	swait.ge [sflag:s23], s21  }
0xa1: {  	s6 =	ssub.s32 $0x0, s21;
	[sflag:s23] =	ssyncset.done $0x0  }
0xa2: {  	[sflag:s23] =	ssyncadd.s32 s6;
	_ =	sdelay $0x1  }
0xa3: {  	s24 =	simm.s32 $0x1B8B  }
0xa4: {  	_ =	swait.ge [sflag:s24], $0x1  }
0xa5: {  	[sflag:s24] =	ssyncset.done $0x0  }
0xa6: {  	s25 =	simm.s32 $0x1B8E;
	[sflag:s24] =	ssyncadd.s32 $0xFFFFFFFF  }
0xa7: {  	s26 =	simm.s32 $execute0_lowered;
	[smem:$0x3FD2] =	sst s25  }
0xa8: {  	s6 =	sshll.u32 s26, $0x1;
	_ =	strace $0x80000046;
	[dreg:$0x1] =	wrdreg $0xFFFFFFFF  }
0xa9: {  	s28 =	simm.s32 $_size_execute0_lowered;
	s5 =	sadd.s32 s5, s6;
	[dreg:$0x0] =	wrdreg $0x0  }
0xaa: {  	s6 =	sshll.u32 s28, $0x1;
	[dreg:$0x2] =	wrdreg s5  }
0xab: {  	[dreg:$0x3] =	wrdreg s6  }
0xac: {  	[dreg:$0x4] =	wrdreg $0xC0  }
0xad: {  	_ =	task [dreg:s9], $0x5FFFF  }
0xae: {  	[dreg:$0x1] =	wrdreg $0xFFFFFFFF  }
0xaf: {  	[dreg:$0x0] =	wrdreg $0x60  }
0xb0: {  	[dreg:$0x2] =	wrdreg s2  }
0xb1: {  	[dreg:$0x3] =	wrdreg s19  }
0xb2: {  	[dreg:$0x4] =	wrdreg s4  }
0xb3: {  	[dreg:$0x5] =	wrdreg $0x9  }
0xb4: {  	_ =	task.clear_ibuf [dreg:s9], $0x6FFFF;
	_ =	strace $0x90000046  }
0xb5: {  	s29 =	simm.s32 $0x9;
	_ =	strace $0x80000048  }
0xb6: {  	_ =	swait.ge [sflag:s29], $0x1  }
0xb7: {  	[sflag:s29] =	ssyncadd.s32 $0xFFFFFFFF  }
0xb8: {  	_ =	strace $0x90000048  }
0xb9: {  	_ =	sfence  }
0xba: {  	s30 =	sld [smem:$0x0];
	_ =	sdelay $0x2  }
0xbb: {  	s31 =	sshll.u32 s1, $0xD;
	s1 =	sshrl.u32 s1, $0x2  }
0xbc: {  	s3 =	sand.u32 $0x4000, s31;
	s1 =	sadd.s32 s1, s30  }
0xbd: {  	s0 =	sor.u32 s3, s0;
	s1 =	sshll.u32 s1, $0x11  }
0xbe: {  	s0 =	sor.u32 s1, s0  }
0xbf: {  	s0 =	sadd.s32 $0x8F2B, s0  }
0xc0: {  	[sflag:s0] =	ssyncadd.remote.s32 $0x1  }
0xc1: {  	_ =	sfence.sel $0xFFFF  }
0xc2: {  	[dreg:$0x0] =	wrdreg $0xFFFFFFFF;
	(pc) =	sbr.abs _section_cstart, $3  }
0xc3: {  	[dreg:$0x1] =	wrdreg $0xFFFFFFFF  }
0xc4: {  	_ =	task.clear_ibuf [dreg:s9], $0x2FFFF;
	_ =	strace $0x9FFFFFFF  }
0xc5: {  	(tm) =	ssettm $0x7FFFFFFF  }
tec
execute0_lowered:
.L_overlay_start_1:
0x0: {  	(tag) =	ssettag $0x1  }
0x1: {  	s1 =	rddreg [dreg:$0x0]  }
0x2: {  	s4 =	rddreg [dreg:$0x1]  }
0x3: {  	s2 =	srdreg.scid;
	s0 =	stileid.u32  }
0x4: {  	s5 =	rddreg [dreg:$0x2];
	s3 =	simm.s32 $0x0;
	s10 =	simm.s32 $0x2  }
0x5: {  	s11 =	simm.s32 $0x0;
	s6 =	sand.u32 $0x1, s2;
	s7 =	sshll.u32 s0, $0x1  }
0x6: {  	[smem:$0x7FF] =	sst s3;
	s7 =	sor.u32 s6, s7;
	s6 =	ssub.s32 $0x2, s6  }
0x7: {  	s2 =	rddreg [dreg:$0x3];
	_ =	strace $0x80000047;
	s9 =	sshrl.u32 s6, $0x1  }
0x8: {  	s8 =	smul.u32 $0xC80, s7;
	s7 =	sshll.u32 s7, $0xB;
	s6 =	ssub.s32 s6, s9  }
0x9: {  	s5 =	sadd.s32 s5, s7;
	s7 =	simm.s32 $0x1;
	s9 =	simm.s32 $0x6400  }
0xa: {  	v0 =	vimm.f32 $0.0e+00;
	s4 =	sadd.s32 s4, s8;
	s6 =	smax.u32 s6, $0x1;
	s8 =	simm.s32 $0x80  }
.LBB2_1:
0xb: {  	[tilespmem:s3], [sflag:$0x1] =	stream.linear.gather [hbm4b:s4+s3], $0x6400, $0x38;
	[tilespmem:$0xA400] =	vst v63  }
0xc: {  	s12 =	simm.s32 $0x0;
	s13 =	simm.s32 $0x200  }
.LBB2_2:
0xd: {  	p0 =	sne.s32 s13, $0xFE00;
	[tilespmem:s12+$0x6470] =	vst v0  }
0xe: {  	[tilespmem:s12+$0x6400] =	vst v0  }
0xf: {  	[tilespmem:s12+$0x6410] =	vst v0  }
.Ltmp0:
0x10: {  	[tilespmem:s12+$0x6420] =	vst v0;
	(pc) =	sbr.rel @p0 .LBB2_2-.Ltmp0, $4  }
0x11: {  	[tilespmem:s12+$0x6430] =	vst v0  }
0x12: {  	[tilespmem:s12+$0x6440] =	vst v0  }
0x13: {  	[tilespmem:s12+$0x6450] =	vst v0  }
0x14: {  	[tilespmem:s12+$0x6460] =	vst v0;
	s12 =	sshra.s32 s13, $0x2;
	s13 =	sadd.s32 $0x200, s13  }
0x15: {  	[tilespmem:s12+$0x6470] =	vst v0  }
0x16: {  	[tilespmem:s12+$0x6400] =	vst v0  }
0x17: {  	[tilespmem:s12+$0x6410] =	vst v0  }
0x18: {  	[tilespmem:s12+$0x6420] =	vst v0  }
0x19: {  	[tilespmem:s12+$0x6430] =	vst v0  }
0x1a: {  	[tilespmem:s12+$0x6440] =	vst v0  }
0x1b: {  	[tilespmem:s12+$0x6450] =	vst v0  }
0x1c: {  	[tilespmem:s12+$0x6460] =	vst v0  }
0x1d: {  	_ =	swait.ge [sflag:s7], $0x6400  }
0x1e: {  	[sflag:s7] =	ssyncset.done $0x0  }
0x1f: {  	s24 =	simm.s32 $0x0;
	[sflag:s7] =	ssyncadd.s32 $0xFFFF9C00  }
0x20: {  	[tilespmem:s9], [sflag:$0x1] =	stream.indirect.gather [hbm4b:s1+s8], $0x80, s24, s8, $0xb8;
	[tilespmem:$0xA400] =	vst v63  }
0x21: {  	s25 =	simm.s32 $0x80  }
0x22: {  	[tilespmem:s9], [sflag:$0x1] =	stream.indirect.gather [hbm4b:s1+s8], $0x80, s25, s8, $0xb8;
	[tilespmem:$0xA400] =	vst v63  }
0x23: {  	s26 =	simm.s32 $0x100  }
0x24: {  	[tilespmem:s9], [sflag:$0x1] =	stream.indirect.gather [hbm4b:s1+s8], $0x80, s26, s8, $0xb8;
	[tilespmem:$0xA400] =	vst v63  }
0x25: {  	s28 =	simm.s32 $0x180  }
0x26: {  	[tilespmem:s9], [sflag:$0x1] =	stream.indirect.gather [hbm4b:s1+s8], $0x80, s28, s8, $0xb8;
	[tilespmem:$0xA400] =	vst v63  }
0x27: {  	s29 =	simm.s32 $0x200  }
0x28: {  	[tilespmem:s9], [sflag:$0x1] =	stream.indirect.gather [hbm4b:s1+s8], $0x80, s29, s8, $0xb8;
	[tilespmem:$0xA400] =	vst v63  }
0x29: {  	s30 =	simm.s32 $0x280  }
0x2a: {  	[tilespmem:s9], [sflag:$0x1] =	stream.indirect.gather [hbm4b:s1+s8], $0x80, s30, s8, $0xb8;
	[tilespmem:$0xA400] =	vst v63  }
0x2b: {  	s31 =	simm.s32 $0x300;
	s12 =	simm.s32 $0x1000;
	s13 =	simm.s32 $0x380  }
0x2c: {  	[tilespmem:s9], [sflag:$0x1] =	stream.indirect.gather [hbm4b:s1+s8], $0x80, s31, s8, $0xb8;
	[tilespmem:$0xA400] =	vst v63  }
.LBB2_4:
0x2d: {  	[tilespmem:s9], [sflag:$0x1] =	stream.indirect.gather [hbm4b:s1+s8], $0x80, s13, s8, $0xb8;
	[tilespmem:$0xA400] =	vst v63  }
0x2e: {  	s13 =	sshra.s32 s12, $0x2;
	p0 =	sne.s32 s12, $0x18000;
	s12 =	sadd.s32 $0x1000, s12  }
0x2f: {  	[tilespmem:s9], [sflag:$0x1] =	stream.indirect.gather [hbm4b:s1+s8], $0x80, s13, s8, $0xb8;
	[tilespmem:$0xA400] =	vst v63  }
0x30: {  	s14 =	sadd.s32 $0x80, s13  }
0x31: {  	[tilespmem:s9], [sflag:$0x1] =	stream.indirect.gather [hbm4b:s1+s8], $0x80, s14, s8, $0xb8;
	[tilespmem:$0xA400] =	vst v63  }
0x32: {  	s14 =	sadd.s32 $0x100, s13  }
0x33: {  	[tilespmem:s9], [sflag:$0x1] =	stream.indirect.gather [hbm4b:s1+s8], $0x80, s14, s8, $0xb8;
	[tilespmem:$0xA400] =	vst v63  }
0x34: {  	s14 =	sadd.s32 $0x180, s13  }
0x35: {  	[tilespmem:s9], [sflag:$0x1] =	stream.indirect.gather [hbm4b:s1+s8], $0x80, s14, s8, $0xb8;
	[tilespmem:$0xA400] =	vst v63  }
0x36: {  	s14 =	sadd.s32 $0x200, s13  }
0x37: {  	[tilespmem:s9], [sflag:$0x1] =	stream.indirect.gather [hbm4b:s1+s8], $0x80, s14, s8, $0xb8;
	[tilespmem:$0xA400] =	vst v63  }
.Ltmp1:
0x38: {  	s14 =	sadd.s32 $0x280, s13;
	(pc) =	sbr.rel @p0 .LBB2_4-.Ltmp1, $4  }
0x39: {  	[tilespmem:s9], [sflag:$0x1] =	stream.indirect.gather [hbm4b:s1+s8], $0x80, s14, s8, $0xb8;
	[tilespmem:$0xA400] =	vst v63  }
0x3a: {  	s14 =	sadd.s32 $0x300, s13  }
0x3b: {  	[tilespmem:s9], [sflag:$0x1] =	stream.indirect.gather [hbm4b:s1+s8], $0x80, s14, s8, $0xb8;
	[tilespmem:$0xA400] =	vst v63  }
0x3c: {  	s13 =	sadd.s32 $0x380, s13  }
0x3d: {  	[tilespmem:s9], [sflag:$0x1] =	stream.indirect.gather [hbm4b:s1+s8], $0x80, s13, s8, $0xb8;
	[tilespmem:$0xA400] =	vst v63  }
0x3e: {  	_ =	swait.ge [sflag:s7], $0x4000  }
0x3f: {  	s12 =	simm.s32 $0xC7;
	[sflag:s7] =	ssyncset.done $0x0  }
.LBB2_6:
0x40: {  	p0 =	sne.s32 s12, $0x1;
	s12 =	sadd.s32 $0xFFFFFFFF, s12;
	[sflag:s7] =	ssyncadd.s32 $0xFFFFC000  }
.Ltmp2:
0x41: {  	(pc) =	sbr.rel @p0 .LBB2_6-.Ltmp2, $3  }
0x42: {  	_ =	sdelay $0x1  }
0x43: {  	_ =	swait.ge [sflag:s7], $0x4000  }
0x44: {  	[sflag:s7] =	ssyncset.done $0x0  }
0x45: {  	s11 =	sadd.s32 $0x1, s11  }
0x46: {  	p0 =	sne.s32 s11, s6  }
.Ltmp3:
0x47: {  	[sflag:s7] =	ssyncadd.s32 $0xFFFFC000;
	(pc) =	sbr.rel @p0 .LBB2_1-.Ltmp3, $4  }
0x48: {  	[hbm4b:s5+s3] =	stream.linear.scatter [tilespmem:s9], [sflag:$0x2], $0x4000, $0x38;
	[tilespmem:$0xA400] =	vst v63  }
0x49: {  	_ =	swait.ge [sflag:s10], $0x4000  }
0x4a: {  	[sflag:s10] =	ssyncset.done $0x0  }
0x4b: {  	[sflag:s10] =	ssyncadd.s32 $0xFFFFC000  }
0x4c: {  	_ =	sfence.sel $0x180000  }
0x4d: {  	[bflag:$0x0] =	sbarrier.arrive $0xFFFF  }
0x4e: {  	p0 =	sne.s32 s0, $0x0;
	_ =	strace $0x90000047  }
0x4f: {  	s0 =	sadd.s32 @!p0 $0x100000, s2;
	[bflag:$0x2] =	sbarrier.arrive $0xFFFF  }
0x50: {  	[sflag:s0] =	ssyncadd.tile.s32 @!p0 $0x1;
	_ =	shalt  }
.Lfunc_end2:
_tile_overlayer_lowered:
.L_overlay_start_2:
0x51: {  	(tag) =	ssettag $0x2  }
0x52: {  	s0 =	rddreg [dreg:$0x0];
	s2 =	stileid.u32  }
0x53: {  	s1 =	rddreg [dreg:$0x1];
	p0 =	sne.s32 s2, $0x0  }
0x54: {  	s3 =	rddreg [dreg:$0x2];
	[bflag:$0x3] =	sbarrier.arrive $0xFFFF;
	s2 =	simm.s32 @!p0 $0x1C02  }
0x55: {  	[timem:s3], [sflag:s2] =	dma.local @!p0 [hbm:s0], s1  }
0x56: {  	s0 =	simm.s32 @!p0 $0x2  }
0x57: {  	_ =	swait.ge @!p0 [sflag:s0], s1  }
0x58: {  	s1 =	ssub.s32 @!p0 $0x0, s1;
	[sflag:s0] =	ssyncset.done @!p0 $0x0  }
0x59: {  	[sflag:s0] =	ssyncadd.s32 @!p0 s1  }
0x5a: {  	[bflag:$0x3] =	sbarrier.arrive $0xFFFF  }
0x5b: {  	_ =	shalt  }

</sc_bundles>
